<compile_context>
chip_gen: v7x
topology: tpu7x:2x2x1
jax: 0.10.2.dev20260603
libtpu: 0.0.44.dev20260713+nightly
codegen_flags: <defaults>
</compile_context>

<pallas_src>
import functools

import jax
import jax.numpy as jnp
from jax import lax
from jax.experimental import pallas as pl
from jax.experimental.pallas import tpu as pltpu
from jax.experimental.pallas import tpu_sc as plsc

P = 16
D = 64
DP = 128
K = 1024

_NC = 2
_NS = 16
_NW = _NC * _NS
_TOK_TOTAL = 9216
_BPW = _TOK_TOTAL // _NW
_CHUNK = 96
_NCHUNK = _BPW // _CHUNK


def _patchify_block(x):
    t = x.reshape(3, 24, P, 24, P).transpose(1, 3, 0, 2, 4)
    return t.reshape(576, 3 * P * P)


def _unpatchify_block(t):
    x = t.reshape(24, 24, 3, P, P).transpose(2, 0, 3, 1, 4)
    return x.reshape(3, 384, 384)


def _encode_argmin_body(x_ref, w_ref, b_ref, cb_ref, cn_ref, z_ref, idx_ref):
    z = b_ref[...]
    for c in range(3):
        pc_ = x_ref[0, c].reshape(24, P, 24, P).transpose(0, 2, 1, 3)
        z = z + jnp.dot(pc_.reshape(576, P * P),
                        w_ref[pl.ds(c * P * P, P * P), :],
                        preferred_element_type=jnp.float32)
    z_ref[...] = z
    d = cn_ref[...] - lax.dot_general(
        z, cb_ref[...], (((1,), (1,)), ((), ())),
        preferred_element_type=jnp.float32)
    dmin = jnp.min(d, axis=1, keepdims=True)
    iota = lax.broadcasted_iota(jnp.int32, d.shape, 1)
    idx = jnp.min(jnp.where(d == dmin, iota, K), axis=1)
    idx_ref[...] = idx[None, None, :]


def _decode_loss_body(x_ref, z_ref, emb_ref, wd_ref, bd_ref,
                      recon_ref, vq_ref, mse_ref):
    emb = emb_ref[:, :D]
    recon = jnp.dot(emb, wd_ref[...],
                    preferred_element_type=jnp.float32) + bd_ref[...]
    msse = jnp.zeros((), jnp.float32)
    for c in range(3):
        rc = recon[:, c * P * P:(c + 1) * P * P].reshape(
            24, 24, P, P).transpose(0, 2, 1, 3).reshape(384, 384)
        recon_ref[0, c] = rc
        dr = rc - x_ref[0, c]
        msse = msse + jnp.sum(dr * dr)
    dz = z_ref[...] - emb
    vq_ref[...] = jnp.sum(dz * dz).reshape(1, 1, 1)
    mse_ref[...] = msse.reshape(1, 1, 1)


@functools.partial(
    pl.kernel,
    mesh=plsc.VectorSubcoreMesh(core_axis_name="c", subcore_axis_name="s"),
    out_type=jax.ShapeDtypeStruct((_TOK_TOTAL, DP), jnp.float32),
    scratch_types=[
        pltpu.VMEM((_NCHUNK, _CHUNK), jnp.int32),
        pltpu.VMEM((_BPW, DP), jnp.float32),
        pltpu.SemaphoreType.DMA,
    ],
)
def _sc_gather(cb_hbm, idx_hbm, out_hbm, idx_v, rows_v, sem):
    wid = lax.axis_index("s") * _NC + lax.axis_index("c")
    base = wid * _BPW
    pltpu.sync_copy(idx_hbm.at[wid], idx_v)
    for j in range(_NCHUNK):
        pltpu.async_copy(cb_hbm.at[idx_v.at[j]],
                         rows_v.at[pl.ds(j * _CHUNK, _CHUNK)], sem).wait()
    pltpu.sync_copy(rows_v, out_hbm.at[pl.ds(base, _BPW)])


def kernel(inputs, W_enc, b_enc, codebook, W_dec, b_dec):
    Bb, Cc, H, W = inputs.shape
    h, w = H // P, W // P
    T = Bb * h * w
    pd = Cc * P * P
    ntok = h * w
    cn_half = 0.5 * jnp.sum(codebook * codebook, axis=1)[None, :]
    cb_p = jnp.pad(codebook, ((0, 0), (0, DP - D)))

    z, idx3 = pl.pallas_call(
        _encode_argmin_body,
        grid=(Bb,),
        in_specs=[
            pl.BlockSpec((1, Cc, H, W), lambda i: (i, 0, 0, 0)),
            pl.BlockSpec((pd, D), lambda i: (0, 0)),
            pl.BlockSpec((1, D), lambda i: (0, 0)),
            pl.BlockSpec((K, D), lambda i: (0, 0)),
            pl.BlockSpec((1, K), lambda i: (0, 0)),
        ],
        out_specs=[
            pl.BlockSpec((ntok, D), lambda i: (i, 0)),
            pl.BlockSpec((1, 1, ntok), lambda i: (i, 0, 0)),
        ],
        out_shape=[
            jax.ShapeDtypeStruct((T, D), jnp.float32),
            jax.ShapeDtypeStruct((Bb, 1, ntok), jnp.int32),
        ],
        compiler_params=pltpu.CompilerParams(
            dimension_semantics=("parallel",)),
    )(inputs, W_enc, b_enc.reshape(1, D), codebook, cn_half)

    idx = idx3.reshape(_NW, _NCHUNK, _CHUNK)
    emb = _sc_gather(cb_p, idx)

    recon, vq_parts, mse_parts = pl.pallas_call(
        _decode_loss_body,
        grid=(Bb,),
        in_specs=[
            pl.BlockSpec((1, Cc, H, W), lambda i: (i, 0, 0, 0)),
            pl.BlockSpec((ntok, D), lambda i: (i, 0)),
            pl.BlockSpec((ntok, DP), lambda i: (i, 0)),
            pl.BlockSpec((D, pd), lambda i: (0, 0)),
            pl.BlockSpec((1, pd), lambda i: (0, 0)),
        ],
        out_specs=[
            pl.BlockSpec((1, Cc, H, W), lambda i: (i, 0, 0, 0)),
            pl.BlockSpec((1, 1, 1), lambda i: (i, 0, 0)),
            pl.BlockSpec((1, 1, 1), lambda i: (i, 0, 0)),
        ],
        out_shape=[
            jax.ShapeDtypeStruct((Bb, Cc, H, W), jnp.float32),
            jax.ShapeDtypeStruct((Bb, 1, 1), jnp.float32),
            jax.ShapeDtypeStruct((Bb, 1, 1), jnp.float32),
        ],
        compiler_params=pltpu.CompilerParams(
            dimension_semantics=("parallel",)),
    )(inputs, z, emb, W_dec, b_dec.reshape(1, pd))

    mse = jnp.sum(mse_parts) / (Bb * Cc * H * W)
    vq = jnp.sum(vq_parts) / (T * D)
    loss = 1.25 * vq + mse
    return (loss, mse, recon)

# --- scband reference (transcript-rebuilt; emitter-appended) ---
"""Pipeline reference for scband-vqvae-14980845928783 (READ-ONLY COPY).

The authoritative reference and input builder live on the scoring server;
editing this copy changes nothing except your own understanding.
"""

import jax, jax.numpy as jnp
import numpy as np

P = 16
D = 64
K = 1024
C = 3
HW = 384
B = 16
COMMITMENT = 0.25


def setup_inputs(seed: int = 0) -> dict:
    key = jax.random.key(seed)
    k1, k2, k3, k4 = jax.random.split(key, 4)
    patch_dim = P * P * C
    inputs = jax.random.normal(k1, (B, C, HW, HW), dtype=jnp.float32)
    W_enc = jax.random.normal(k2, (patch_dim, D), dtype=jnp.float32) * (1.0 / np.sqrt(patch_dim))
    b_enc = jnp.zeros((D,), dtype=jnp.float32)
    codebook = jax.random.normal(k3, (K, D), dtype=jnp.float32)
    W_dec = jax.random.normal(k4, (D, patch_dim), dtype=jnp.float32) * (1.0 / np.sqrt(D))
    b_dec = jnp.zeros((patch_dim,), dtype=jnp.float32)
    return {"inputs": inputs, "W_enc": W_enc, "b_enc": b_enc, "codebook": codebook, "W_dec": W_dec, "b_dec": b_dec}


def _patchify(x):
    Bb, Cc, H, W = x.shape
    h, w = H // P, W // P
    x = x.reshape(Bb, Cc, h, P, w, P)
    x = x.transpose(0, 2, 4, 1, 3, 5)
    return x.reshape(Bb, h * w, Cc * P * P)


def _unpatchify(x, Cc, H, W):
    Bb = x.shape[0]
    h, w = H // P, W // P
    x = x.reshape(Bb, h, w, Cc, P, P)
    x = x.transpose(0, 3, 1, 4, 2, 5)
    return x.reshape(Bb, Cc, H, W)


def _vq(z, codebook):
    # nearest-neighbor codebook lookup: argmin over squared distances
    d = (jnp.sum(z * z, axis=-1, keepdims=True)
         - 2.0 * jnp.einsum('bnd,kd->bnk', z, codebook)
         + jnp.sum(codebook * codebook, axis=-1))
    idx = jnp.argmin(d, axis=-1)
    embedded = jnp.take(codebook, idx, axis=0)
    # straight-through estimator output
    embedded_pt = z + jax.lax.stop_gradient(embedded - z)
    return embedded, embedded_pt, idx


def _vq_loss(encoded, embedded, commitment):
    codebook_term = jnp.mean(jnp.square(jax.lax.stop_gradient(encoded) - embedded))
    commit_term = jnp.mean(jnp.square(encoded - jax.lax.stop_gradient(embedded)))
    return codebook_term + commitment * commit_term


def reference(inputs, W_enc, b_enc, codebook, W_dec, b_dec):
    Bb, Cc, H, W = inputs.shape
    # encoder.encode (bottom level): patchify + linear projection to code_dim
    encoded = _patchify(inputs) @ W_enc + b_enc  # [B, N, D]
    # encoder.vq
    embedded, embedded_pt, _ = _vq(encoded, codebook)
    total_vq_loss = _vq_loss(encoded, embedded, COMMITMENT)
    # decoder (top level): linear + unpatchify; target is the original inputs
    recon = _unpatchify(embedded_pt @ W_dec + b_dec, Cc, H, W)
    mse = jnp.mean(jnp.square(recon - inputs))
    loss = total_vq_loss + mse
    return (loss, mse, recon)

if __name__ == "__main__":
    import jax
    _d = setup_inputs()
    print(jax.jit(kernel)(*tuple(_d.values())))

</pallas_src>

<mosaic_0001>
#map = affine_map<(d0, d1) -> (0, 0)>
#map1 = affine_map<(d0, d1) -> (0, 0, 0)>
module attributes {stable_mosaic.version = 14 : i64} {
  func.func @_sc_gather(%arg0: i32, %arg1: i32, %arg2: memref<1024x128xf32, #tpu.memory_space<hbm>>, %arg3: memref<32x3x96xi32, #tpu.memory_space<hbm>>, %arg4: memref<9216x128xf32, #tpu.memory_space<hbm>>, %arg5: memref<3x96xi32, #tpu.memory_space<vmem>>, %arg6: memref<288x128xf32, #tpu.memory_space<vmem>>, %arg7: memref<!tpu.dma_semaphore, #tpu.memory_space<semaphore_mem>>) attributes {dimension_semantics = [#tpu.dimension_semantics<core_parallel>, #tpu.dimension_semantics<subcore_parallel>], iteration_bounds = array<i64: 2, 16>, scalar_prefetch = 0 : i64, scratch_operands = 3 : i64, tpu.core_type = #tpu.core_type<sc_vector_subcore>, window_params = [{transform_indices = #map}, {transform_indices = #map1}, {transform_indices = #map}]} {
    %mul3A = arith.constant 2 : i32
    %mul3A_0 = arith.muli %arg1, %mul3A : i32
    %add3A = arith.addi %mul3A_0, %arg0 : i32
    %mul3A_1 = arith.constant 288 : i32
    %mul3A_2 = arith.muli %add3A, %mul3A_1 : i32
    "tpu.region"() ({
      %run_scoped3A = tpu.sem_alloc : memref<!tpu.dma_semaphore, #tpu.memory_space<semaphore_mem>>
      %dma_start3A_61 = arith.constant 0 : i32
      %dma_start3A_62 = arith.constant 0 : i32
      %dma_start3A_63 = tpu.memref_slice %arg3[%add3A, %dma_start3A_61, %dma_start3A_62] : memref<32x3x96xi32, #tpu.memory_space<hbm>> -> memref<1x3x96xi32, #tpu.memory_space<hbm>>
      %dma_start3A_64 = tpu.memref_squeeze %dma_start3A_63 : memref<1x3x96xi32, #tpu.memory_space<hbm>> -> memref<3x96xi32, #tpu.memory_space<hbm>>
      %dma_start3A_65 = arith.constant 0 : i32
      %dma_start3A_66 = arith.constant 0 : i32
      %dma_start3A_67 = tpu.memref_slice %arg3[%add3A, %dma_start3A_65, %dma_start3A_66] : memref<32x3x96xi32, #tpu.memory_space<hbm>> -> memref<1x3x96xi32, #tpu.memory_space<hbm>>
      %dma_start3A_68 = tpu.memref_squeeze %dma_start3A_67 : memref<1x3x96xi32, #tpu.memory_space<hbm>> -> memref<3x96xi32, #tpu.memory_space<hbm>>
      tpu.enqueue_dma source(%dma_start3A_68 : memref<3x96xi32, #tpu.memory_space<hbm>>) target(%arg5 : memref<3x96xi32, #tpu.memory_space<vmem>>) target_semaphore(%run_scoped3A : memref<!tpu.dma_semaphore, #tpu.memory_space<semaphore_mem>>)
      %dma_wait3A_69 = arith.constant 0 : i32
      %dma_wait3A_70 = arith.constant 0 : i32
      %dma_wait3A_71 = tpu.memref_slice %arg3[%add3A, %dma_wait3A_69, %dma_wait3A_70] : memref<32x3x96xi32, #tpu.memory_space<hbm>> -> memref<1x3x96xi32, #tpu.memory_space<hbm>>
      %dma_wait3A_72 = tpu.memref_squeeze %dma_wait3A_71 : memref<1x3x96xi32, #tpu.memory_space<hbm>> -> memref<3x96xi32, #tpu.memory_space<hbm>>
      %dma_wait3A_73 = arith.constant 0 : i32
      %dma_wait3A_74 = arith.constant 0 : i32
      %dma_wait3A_75 = tpu.memref_slice %arg3[%add3A, %dma_wait3A_73, %dma_wait3A_74] : memref<32x3x96xi32, #tpu.memory_space<hbm>> -> memref<1x3x96xi32, #tpu.memory_space<hbm>>
      %dma_wait3A_76 = tpu.memref_squeeze %dma_wait3A_75 : memref<1x3x96xi32, #tpu.memory_space<hbm>> -> memref<3x96xi32, #tpu.memory_space<hbm>>
      tpu.wait_dma2 semaphore(%run_scoped3A : memref<!tpu.dma_semaphore, #tpu.memory_space<semaphore_mem>>) src(%dma_wait3A_76 : memref<3x96xi32, #tpu.memory_space<hbm>>) dst(%arg5 : memref<3x96xi32, #tpu.memory_space<vmem>>)
      tpu.yield
    }) : () -> ()
    %dma_start3A = arith.constant 0 : i32
    %dma_start3A_3 = arith.constant 0 : i32
    %dma_start3A_4 = arith.constant 0 : i32
    %dma_start3A_5 = tpu.memref_slice %arg6[%dma_start3A_3, %dma_start3A_4] : memref<288x128xf32, #tpu.memory_space<vmem>> -> memref<96x128xf32, #tpu.memory_space<vmem>>
    %dma_start3A_6 = arith.constant 0 : i32
    %dma_start3A_7 = tpu.memref_slice %arg5[%dma_start3A, %dma_start3A_6] : memref<3x96xi32, #tpu.memory_space<vmem>> -> memref<1x96xi32, #tpu.memory_space<vmem>>
    %dma_start3A_8 = tpu.memref_squeeze %dma_start3A_7 : memref<1x96xi32, #tpu.memory_space<vmem>> -> memref<96xi32, #tpu.memory_space<vmem>>
    %dma_start3A_9 = arith.constant 0 : i32
    %dma_start3A_10 = arith.constant 0 : i32
    %dma_start3A_11 = tpu.memref_slice %arg2[%dma_start3A_9, %dma_start3A_10] : memref<1024x128xf32, #tpu.memory_space<hbm>> -> memref<1024x128xf32, #tpu.memory_space<hbm>>
    tpu.enqueue_indirect_dma source(%dma_start3A_11 : memref<1024x128xf32, #tpu.memory_space<hbm>>) target(%dma_start3A_5 : memref<96x128xf32, #tpu.memory_space<vmem>>) offsets(%dma_start3A_8 : memref<96xi32, #tpu.memory_space<vmem>>) semaphore(%arg7 : memref<!tpu.dma_semaphore, #tpu.memory_space<semaphore_mem>>)
    %dma_wait3A = arith.constant 0 : i32
    %dma_wait3A_12 = arith.constant 0 : i32
    %dma_wait3A_13 = arith.constant 0 : i32
    %dma_wait3A_14 = tpu.memref_slice %arg6[%dma_wait3A_12, %dma_wait3A_13] : memref<288x128xf32, #tpu.memory_space<vmem>> -> memref<96x128xf32, #tpu.memory_space<vmem>>
    %dma_wait3A_15 = arith.constant 0 : i32
    %dma_wait3A_16 = tpu.memref_slice %arg5[%dma_wait3A, %dma_wait3A_15] : memref<3x96xi32, #tpu.memory_space<vmem>> -> memref<1x96xi32, #tpu.memory_space<vmem>>
    %dma_wait3A_17 = tpu.memref_squeeze %dma_wait3A_16 : memref<1x96xi32, #tpu.memory_space<vmem>> -> memref<96xi32, #tpu.memory_space<vmem>>
    %dma_wait3A_18 = arith.constant 0 : i32
    %dma_wait3A_19 = arith.constant 0 : i32
    %dma_wait3A_20 = tpu.memref_slice %arg2[%dma_wait3A_18, %dma_wait3A_19] : memref<1024x128xf32, #tpu.memory_space<hbm>> -> memref<1024x128xf32, #tpu.memory_space<hbm>>
    tpu.wait_indirect_dma semaphore(%arg7 : memref<!tpu.dma_semaphore, #tpu.memory_space<semaphore_mem>>) src(%dma_wait3A_20 : memref<1024x128xf32, #tpu.memory_space<hbm>>) dst(%dma_wait3A_14 : memref<96x128xf32, #tpu.memory_space<vmem>>)
    %dma_start3A_21 = arith.constant 1 : i32
    %dma_start3A_22 = arith.constant 96 : i32
    %dma_start3A_23 = arith.constant 0 : i32
    %dma_start3A_24 = tpu.memref_slice %arg6[%dma_start3A_22, %dma_start3A_23] : memref<288x128xf32, #tpu.memory_space<vmem>> -> memref<96x128xf32, #tpu.memory_space<vmem>>
    %dma_start3A_25 = arith.constant 0 : i32
    %dma_start3A_26 = tpu.memref_slice %arg5[%dma_start3A_21, %dma_start3A_25] : memref<3x96xi32, #tpu.memory_space<vmem>> -> memref<1x96xi32, #tpu.memory_space<vmem>>
    %dma_start3A_27 = tpu.memref_squeeze %dma_start3A_26 : memref<1x96xi32, #tpu.memory_space<vmem>> -> memref<96xi32, #tpu.memory_space<vmem>>
    %dma_start3A_28 = arith.constant 0 : i32
    %dma_start3A_29 = arith.constant 0 : i32
    %dma_start3A_30 = tpu.memref_slice %arg2[%dma_start3A_28, %dma_start3A_29] : memref<1024x128xf32, #tpu.memory_space<hbm>> -> memref<1024x128xf32, #tpu.memory_space<hbm>>
    tpu.enqueue_indirect_dma source(%dma_start3A_30 : memref<1024x128xf32, #tpu.memory_space<hbm>>) target(%dma_start3A_24 : memref<96x128xf32, #tpu.memory_space<vmem>>) offsets(%dma_start3A_27 : memref<96xi32, #tpu.memory_space<vmem>>) semaphore(%arg7 : memref<!tpu.dma_semaphore, #tpu.memory_space<semaphore_mem>>)
    %dma_wait3A_31 = arith.constant 1 : i32
    %dma_wait3A_32 = arith.constant 96 : i32
    %dma_wait3A_33 = arith.constant 0 : i32
    %dma_wait3A_34 = tpu.memref_slice %arg6[%dma_wait3A_32, %dma_wait3A_33] : memref<288x128xf32, #tpu.memory_space<vmem>> -> memref<96x128xf32, #tpu.memory_space<vmem>>
    %dma_wait3A_35 = arith.constant 0 : i32
    %dma_wait3A_36 = tpu.memref_slice %arg5[%dma_wait3A_31, %dma_wait3A_35] : memref<3x96xi32, #tpu.memory_space<vmem>> -> memref<1x96xi32, #tpu.memory_space<vmem>>
    %dma_wait3A_37 = tpu.memref_squeeze %dma_wait3A_36 : memref<1x96xi32, #tpu.memory_space<vmem>> -> memref<96xi32, #tpu.memory_space<vmem>>
    %dma_wait3A_38 = arith.constant 0 : i32
    %dma_wait3A_39 = arith.constant 0 : i32
    %dma_wait3A_40 = tpu.memref_slice %arg2[%dma_wait3A_38, %dma_wait3A_39] : memref<1024x128xf32, #tpu.memory_space<hbm>> -> memref<1024x128xf32, #tpu.memory_space<hbm>>
    tpu.wait_indirect_dma semaphore(%arg7 : memref<!tpu.dma_semaphore, #tpu.memory_space<semaphore_mem>>) src(%dma_wait3A_40 : memref<1024x128xf32, #tpu.memory_space<hbm>>) dst(%dma_wait3A_34 : memref<96x128xf32, #tpu.memory_space<vmem>>)
    %dma_start3A_41 = arith.constant 2 : i32
    %dma_start3A_42 = arith.constant 192 : i32
    %dma_start3A_43 = arith.constant 0 : i32
    %dma_start3A_44 = tpu.memref_slice %arg6[%dma_start3A_42, %dma_start3A_43] : memref<288x128xf32, #tpu.memory_space<vmem>> -> memref<96x128xf32, #tpu.memory_space<vmem>>
    %dma_start3A_45 = arith.constant 0 : i32
    %dma_start3A_46 = tpu.memref_slice %arg5[%dma_start3A_41, %dma_start3A_45] : memref<3x96xi32, #tpu.memory_space<vmem>> -> memref<1x96xi32, #tpu.memory_space<vmem>>
    %dma_start3A_47 = tpu.memref_squeeze %dma_start3A_46 : memref<1x96xi32, #tpu.memory_space<vmem>> -> memref<96xi32, #tpu.memory_space<vmem>>
    %dma_start3A_48 = arith.constant 0 : i32
    %dma_start3A_49 = arith.constant 0 : i32
    %dma_start3A_50 = tpu.memref_slice %arg2[%dma_start3A_48, %dma_start3A_49] : memref<1024x128xf32, #tpu.memory_space<hbm>> -> memref<1024x128xf32, #tpu.memory_space<hbm>>
    tpu.enqueue_indirect_dma source(%dma_start3A_50 : memref<1024x128xf32, #tpu.memory_space<hbm>>) target(%dma_start3A_44 : memref<96x128xf32, #tpu.memory_space<vmem>>) offsets(%dma_start3A_47 : memref<96xi32, #tpu.memory_space<vmem>>) semaphore(%arg7 : memref<!tpu.dma_semaphore, #tpu.memory_space<semaphore_mem>>)
    %dma_wait3A_51 = arith.constant 2 : i32
    %dma_wait3A_52 = arith.constant 192 : i32
    %dma_wait3A_53 = arith.constant 0 : i32
    %dma_wait3A_54 = tpu.memref_slice %arg6[%dma_wait3A_52, %dma_wait3A_53] : memref<288x128xf32, #tpu.memory_space<vmem>> -> memref<96x128xf32, #tpu.memory_space<vmem>>
    %dma_wait3A_55 = arith.constant 0 : i32
    %dma_wait3A_56 = tpu.memref_slice %arg5[%dma_wait3A_51, %dma_wait3A_55] : memref<3x96xi32, #tpu.memory_space<vmem>> -> memref<1x96xi32, #tpu.memory_space<vmem>>
    %dma_wait3A_57 = tpu.memref_squeeze %dma_wait3A_56 : memref<1x96xi32, #tpu.memory_space<vmem>> -> memref<96xi32, #tpu.memory_space<vmem>>
    %dma_wait3A_58 = arith.constant 0 : i32
    %dma_wait3A_59 = arith.constant 0 : i32
    %dma_wait3A_60 = tpu.memref_slice %arg2[%dma_wait3A_58, %dma_wait3A_59] : memref<1024x128xf32, #tpu.memory_space<hbm>> -> memref<1024x128xf32, #tpu.memory_space<hbm>>
    tpu.wait_indirect_dma semaphore(%arg7 : memref<!tpu.dma_semaphore, #tpu.memory_space<semaphore_mem>>) src(%dma_wait3A_60 : memref<1024x128xf32, #tpu.memory_space<hbm>>) dst(%dma_wait3A_54 : memref<96x128xf32, #tpu.memory_space<vmem>>)
    "tpu.region"() ({
      %run_scoped3A = tpu.sem_alloc : memref<!tpu.dma_semaphore, #tpu.memory_space<semaphore_mem>>
      %dma_start3A_61 = arith.constant 0 : i32
      %dma_start3A_62 = tpu.memref_slice %arg4[%mul3A_2, %dma_start3A_61] : memref<9216x128xf32, #tpu.memory_space<hbm>> -> memref<288x128xf32, #tpu.memory_space<hbm>>
      %dma_start3A_63 = arith.constant 0 : i32
      %dma_start3A_64 = tpu.memref_slice %arg4[%mul3A_2, %dma_start3A_63] : memref<9216x128xf32, #tpu.memory_space<hbm>> -> memref<288x128xf32, #tpu.memory_space<hbm>>
      tpu.enqueue_dma source(%arg6 : memref<288x128xf32, #tpu.memory_space<vmem>>) target(%dma_start3A_64 : memref<288x128xf32, #tpu.memory_space<hbm>>) target_semaphore(%run_scoped3A : memref<!tpu.dma_semaphore, #tpu.memory_space<semaphore_mem>>)
      %dma_wait3A_65 = arith.constant 0 : i32
      %dma_wait3A_66 = tpu.memref_slice %arg4[%mul3A_2, %dma_wait3A_65] : memref<9216x128xf32, #tpu.memory_space<hbm>> -> memref<288x128xf32, #tpu.memory_space<hbm>>
      %dma_wait3A_67 = arith.constant 0 : i32
      %dma_wait3A_68 = tpu.memref_slice %arg4[%mul3A_2, %dma_wait3A_67] : memref<9216x128xf32, #tpu.memory_space<hbm>> -> memref<288x128xf32, #tpu.memory_space<hbm>>
      tpu.wait_dma2 semaphore(%run_scoped3A : memref<!tpu.dma_semaphore, #tpu.memory_space<semaphore_mem>>) src(%arg6 : memref<288x128xf32, #tpu.memory_space<vmem>>) dst(%dma_wait3A_68 : memref<288x128xf32, #tpu.memory_space<hbm>>)
      tpu.yield
    }) : () -> ()
    return
  }
}

module attributes {stable_mosaic.version = 14 : i64} {
  func.func @_encode_argmin_body(%arg0: i32, %arg1: memref<1x3x384x384xf32, #tpu.memory_space<vmem>>, %arg2: memref<768x64xf32, #tpu.memory_space<vmem>>, %arg3: memref<1x64xf32, #tpu.memory_space<vmem>>, %arg4: memref<1024x64xf32, #tpu.memory_space<vmem>>, %arg5: memref<1x1024xf32, #tpu.memory_space<vmem>>, %arg6: memref<576x64xf32, #tpu.memory_space<vmem>>, %arg7: memref<1x1x576xi32, #tpu.memory_space<vmem>>) attributes {dimension_semantics = [#tpu.dimension_semantics<parallel>], iteration_bounds = array<i64: 16>, scalar_prefetch = 0 : i64, scratch_operands = 0 : i64, tpu.core_type = #tpu.core_type<tc>, window_params = [{transform_indices = @transform_0, window_bounds = array<i64: 1, 3, 384, 384>}, {pipeline_mode = #tpu.pipeline_mode<synchronous>, transform_indices = @transform_1, window_bounds = array<i64: 768, 64>}, {pipeline_mode = #tpu.pipeline_mode<synchronous>, transform_indices = @transform_2, window_bounds = array<i64: 1, 64>}, {pipeline_mode = #tpu.pipeline_mode<synchronous>, transform_indices = @transform_3, window_bounds = array<i64: 1024, 64>}, {pipeline_mode = #tpu.pipeline_mode<synchronous>, transform_indices = @transform_4, window_bounds = array<i64: 1, 1024>}, {transform_indices = @transform_5, window_bounds = array<i64: 576, 64>}, {transform_indices = @transform_6, window_bounds = array<i64: 1, 1, 576>}]} {
    %get3A = arith.constant 0 : index
    %get3A_0 = arith.constant 0 : index
    %get3A_1 = vector.load %arg3[%get3A, %get3A_0] : memref<1x64xf32, #tpu.memory_space<vmem>>, vector<1x64xf32>
    %get3A_2 = arith.constant 0 : index
    %get3A_3 = arith.constant 0 : index
    %get3A_4 = arith.constant 0 : index
    %get3A_5 = arith.constant 0 : index
    %get3A_6 = vector.load %arg1[%get3A_2, %get3A_3, %get3A_4, %get3A_5] : memref<1x3x384x384xf32, #tpu.memory_space<vmem>>, vector<1x1x384x384xf32>
    %get3A_7 = vector.shape_cast %get3A_6 : vector<1x1x384x384xf32> to vector<384x384xf32>
    %reshape3A = vector.shape_cast %get3A_7 : vector<384x384xf32> to vector<24x16x24x16xf32>
    %transpose3A = tpu.transpose %reshape3A, [0, 2, 1, 3] : vector<24x16x24x16xf32> -> vector<24x24x16x16xf32>
    %reshape3A_8 = vector.shape_cast %transpose3A : vector<24x24x16x16xf32> to vector<576x256xf32>
    %get3A_9 = arith.constant 0 : index
    %get3A_10 = arith.constant 0 : index
    %get3A_11 = vector.load %arg2[%get3A_9, %get3A_10] : memref<768x64xf32, #tpu.memory_space<vmem>>, vector<256x64xf32>
    %dot_general3A = arith.constant dense<0.000000e+00> : vector<576x64xf32>
    %dot_general3A_12 = tpu.matmul %reshape3A_8, %get3A_11, %dot_general3A {dimension_numbers = #tpu.dot_dimension_numbers<[1], [0], [0], [1], [0, 0, 1, 1], [], []>, transpose_lhs_hint = false} : vector<576x256xf32>, vector<256x64xf32>, vector<576x64xf32> -> vector<576x64xf32>
    %add3A = vector.broadcast %get3A_1 : vector<1x64xf32> to vector<576x64xf32>
    %add3A_13 = arith.addf %add3A, %dot_general3A_12 : vector<576x64xf32>
    %get3A_14 = arith.constant 0 : index
    %get3A_15 = arith.constant 1 : index
    %get3A_16 = arith.constant 0 : index
    %get3A_17 = arith.constant 0 : index
    %get3A_18 = vector.load %arg1[%get3A_14, %get3A_15, %get3A_16, %get3A_17] : memref<1x3x384x384xf32, #tpu.memory_space<vmem>>, vector<1x1x384x384xf32>
    %get3A_19 = vector.shape_cast %get3A_18 : vector<1x1x384x384xf32> to vector<384x384xf32>
    %reshape3A_20 = vector.shape_cast %get3A_19 : vector<384x384xf32> to vector<24x16x24x16xf32>
    %transpose3A_21 = tpu.transpose %reshape3A_20, [0, 2, 1, 3] : vector<24x16x24x16xf32> -> vector<24x24x16x16xf32>
    %reshape3A_22 = vector.shape_cast %transpose3A_21 : vector<24x24x16x16xf32> to vector<576x256xf32>
    %get3A_23 = arith.constant 256 : index
    %get3A_24 = arith.constant 0 : index
    %get3A_25 = vector.load %arg2[%get3A_23, %get3A_24] : memref<768x64xf32, #tpu.memory_space<vmem>>, vector<256x64xf32>
    %dot_general3A_26 = arith.constant dense<0.000000e+00> : vector<576x64xf32>
    %dot_general3A_27 = tpu.matmul %reshape3A_22, %get3A_25, %dot_general3A_26 {dimension_numbers = #tpu.dot_dimension_numbers<[1], [0], [0], [1], [0, 0, 1, 1], [], []>, transpose_lhs_hint = false} : vector<576x256xf32>, vector<256x64xf32>, vector<576x64xf32> -> vector<576x64xf32>
    %add3A_28 = arith.addf %add3A_13, %dot_general3A_27 : vector<576x64xf32>
    %get3A_29 = arith.constant 0 : index
    %get3A_30 = arith.constant 2 : index
    %get3A_31 = arith.constant 0 : index
    %get3A_32 = arith.constant 0 : index
    %get3A_33 = vector.load %arg1[%get3A_29, %get3A_30, %get3A_31, %get3A_32] : memref<1x3x384x384xf32, #tpu.memory_space<vmem>>, vector<1x1x384x384xf32>
    %get3A_34 = vector.shape_cast %get3A_33 : vector<1x1x384x384xf32> to vector<384x384xf32>
    %reshape3A_35 = vector.shape_cast %get3A_34 : vector<384x384xf32> to vector<24x16x24x16xf32>
    %transpose3A_36 = tpu.transpose %reshape3A_35, [0, 2, 1, 3] : vector<24x16x24x16xf32> -> vector<24x24x16x16xf32>
    %reshape3A_37 = vector.shape_cast %transpose3A_36 : vector<24x24x16x16xf32> to vector<576x256xf32>
    %get3A_38 = arith.constant 512 : index
    %get3A_39 = arith.constant 0 : index
    %get3A_40 = vector.load %arg2[%get3A_38, %get3A_39] : memref<768x64xf32, #tpu.memory_space<vmem>>, vector<256x64xf32>
    %dot_general3A_41 = arith.constant dense<0.000000e+00> : vector<576x64xf32>
    %dot_general3A_42 = tpu.matmul %reshape3A_37, %get3A_40, %dot_general3A_41 {dimension_numbers = #tpu.dot_dimension_numbers<[1], [0], [0], [1], [0, 0, 1, 1], [], []>, transpose_lhs_hint = false} : vector<576x256xf32>, vector<256x64xf32>, vector<576x64xf32> -> vector<576x64xf32>
    %add3A_43 = arith.addf %add3A_28, %dot_general3A_42 : vector<576x64xf32>
    %swap3A = arith.constant 0 : index
    %swap3A_44 = arith.constant 0 : index
    %swap3A_45 = vector.load %arg6[%swap3A, %swap3A_44] : memref<576x64xf32, #tpu.memory_space<vmem>>, vector<576x64xf32>
    tpu.vector_store %arg6[%swap3A, %swap3A_44], %add3A_43 {strides = array<i32>} : memref<576x64xf32, #tpu.memory_space<vmem>>, vector<576x64xf32>,
    %get3A_46 = arith.constant 0 : index
    %get3A_47 = arith.constant 0 : index
    %get3A_48 = vector.load %arg5[%get3A_46, %get3A_47] : memref<1x1024xf32, #tpu.memory_space<vmem>>, vector<1x1024xf32>
    %get3A_49 = arith.constant 0 : index
    %get3A_50 = arith.constant 0 : index
    %get3A_51 = vector.load %arg4[%get3A_49, %get3A_50] : memref<1024x64xf32, #tpu.memory_space<vmem>>, vector<1024x64xf32>
    %dot_general3A_52 = arith.constant dense<0.000000e+00> : vector<576x1024xf32>
    %dot_general3A_53 = tpu.matmul %add3A_43, %get3A_51, %dot_general3A_52 {dimension_numbers = #tpu.dot_dimension_numbers<[1], [1], [0], [0], [0, 0, 1, 0], [], []>, transpose_lhs_hint = false} : vector<576x64xf32>, vector<1024x64xf32>, vector<576x1024xf32> -> vector<576x1024xf32>
    %sub3A = vector.broadcast %get3A_48 : vector<1x1024xf32> to vector<576x1024xf32>
    %sub3A_54 = arith.subf %sub3A, %dot_general3A_53 : vector<576x1024xf32>
    %reduce_min3A = arith.constant dense<0x7F800000> : vector<576xf32>
    %reduce_min3A_55 = vector.multi_reduction <minimumf>, %sub3A_54, %reduce_min3A [1] : vector<576x1024xf32> to vector<576xf32>
    %broadcast_in_dim3A = vector.shape_cast %reduce_min3A_55 : vector<576xf32> to vector<576x1xf32>
    %iota3A = tpu.iota {dimensions = array<i32: 1>} : vector<576x1024xi32>
    %eq3A = vector.broadcast %broadcast_in_dim3A : vector<576x1xf32> to vector<576x1024xf32>
    %eq3A_56 = arith.cmpf oeq, %sub3A_54, %eq3A : vector<576x1024xf32>
    %jit3A = arith.constant 1024 : i32
    %broadcast_in_dim3A_57 = vector.broadcast %jit3A : i32 to vector<576x1024xi32>
    %select_n3A = arith.select %eq3A_56, %iota3A, %broadcast_in_dim3A_57 : vector<576x1024xi1>, vector<576x1024xi32>
    %reduce_min3A_58 = arith.constant dense<2147483647> : vector<576xi32>
    %reduce_min3A_59 = vector.multi_reduction <minsi>, %select_n3A, %reduce_min3A_58 [1] : vector<576x1024xi32> to vector<576xi32>
    %broadcast_in_dim3A_60 = vector.shape_cast %reduce_min3A_59 : vector<576xi32> to vector<1x1x576xi32>
    %swap3A_61 = arith.constant 0 : index
    %swap3A_62 = arith.constant 0 : index
    %swap3A_63 = arith.constant 0 : index
    %swap3A_64 = vector.load %arg7[%swap3A_61, %swap3A_62, %swap3A_63] : memref<1x1x576xi32, #tpu.memory_space<vmem>>, vector<1x1x576xi32>
    tpu.vector_store %arg7[%swap3A_61, %swap3A_62, %swap3A_63], %broadcast_in_dim3A_60 {strides = array<i32>} : memref<1x1x576xi32, #tpu.memory_space<vmem>>, vector<1x1x576xi32>,
    return
  }
  func.func @transform_0(%arg0: i32) -> (i32, i32, i32, i32) {
    %c0_i32 = arith.constant 0 : i32
    %c0_i32_0 = arith.constant 0 : i32
    %c0_i32_1 = arith.constant 0 : i32
    %c0_i32_2 = arith.constant 0 : i32
    return %arg0, %c0_i32, %c0_i32_0, %c0_i32_1 : i32, i32, i32, i32
  }
  func.func @transform_1(%arg0: i32) -> (i32, i32) {
    %c0_i32 = arith.constant 0 : i32
    %c0_i32_0 = arith.constant 0 : i32
    %c0_i32_1 = arith.constant 0 : i32
    return %c0_i32, %c0_i32_0 : i32, i32
  }
  func.func @transform_2(%arg0: i32) -> (i32, i32) {
    %c0_i32 = arith.constant 0 : i32
    %c0_i32_0 = arith.constant 0 : i32
    %c0_i32_1 = arith.constant 0 : i32
    return %c0_i32, %c0_i32_0 : i32, i32
  }
  func.func @transform_3(%arg0: i32) -> (i32, i32) {
    %c0_i32 = arith.constant 0 : i32
    %c0_i32_0 = arith.constant 0 : i32
    %c0_i32_1 = arith.constant 0 : i32
    return %c0_i32, %c0_i32_0 : i32, i32
  }
  func.func @transform_4(%arg0: i32) -> (i32, i32) {
    %c0_i32 = arith.constant 0 : i32
    %c0_i32_0 = arith.constant 0 : i32
    %c0_i32_1 = arith.constant 0 : i32
    return %c0_i32, %c0_i32_0 : i32, i32
  }
  func.func @transform_5(%arg0: i32) -> (i32, i32) {
    %c0_i32 = arith.constant 0 : i32
    %c0_i32_0 = arith.constant 0 : i32
    return %arg0, %c0_i32 : i32, i32
  }
  func.func @transform_6(%arg0: i32) -> (i32, i32, i32) {
    %c0_i32 = arith.constant 0 : i32
    %c0_i32_0 = arith.constant 0 : i32
    %c0_i32_1 = arith.constant 0 : i32
    return %arg0, %c0_i32, %c0_i32_0 : i32, i32, i32
  }
}

module attributes {stable_mosaic.version = 14 : i64} {
  func.func @_decode_loss_body(%arg0: i32, %arg1: memref<1x3x384x384xf32, #tpu.memory_space<vmem>>, %arg2: memref<576x64xf32, #tpu.memory_space<vmem>>, %arg3: memref<576x128xf32, #tpu.memory_space<vmem>>, %arg4: memref<64x768xf32, #tpu.memory_space<vmem>>, %arg5: memref<1x768xf32, #tpu.memory_space<vmem>>, %arg6: memref<1x3x384x384xf32, #tpu.memory_space<vmem>>, %arg7: memref<1x1x1xf32, #tpu.memory_space<vmem>>, %arg8: memref<1x1x1xf32, #tpu.memory_space<vmem>>) attributes {dimension_semantics = [#tpu.dimension_semantics<parallel>], iteration_bounds = array<i64: 16>, scalar_prefetch = 0 : i64, scratch_operands = 0 : i64, tpu.core_type = #tpu.core_type<tc>, window_params = [{transform_indices = @transform_0, window_bounds = array<i64: 1, 3, 384, 384>}, {transform_indices = @transform_1, window_bounds = array<i64: 576, 64>}, {transform_indices = @transform_2, window_bounds = array<i64: 576, 128>}, {pipeline_mode = #tpu.pipeline_mode<synchronous>, transform_indices = @transform_3, window_bounds = array<i64: 64, 768>}, {pipeline_mode = #tpu.pipeline_mode<synchronous>, transform_indices = @transform_4, window_bounds = array<i64: 1, 768>}, {transform_indices = @transform_5, window_bounds = array<i64: 1, 3, 384, 384>}, {transform_indices = @transform_6, window_bounds = array<i64: 1, 1, 1>}, {transform_indices = @transform_7, window_bounds = array<i64: 1, 1, 1>}]} {
    %get3A = arith.constant 0 : index
    %get3A_0 = arith.constant 0 : index
    %get3A_1 = vector.load %arg3[%get3A, %get3A_0] : memref<576x128xf32, #tpu.memory_space<vmem>>, vector<576x64xf32>
    %get3A_2 = arith.constant 0 : index
    %get3A_3 = arith.constant 0 : index
    %get3A_4 = vector.load %arg4[%get3A_2, %get3A_3] : memref<64x768xf32, #tpu.memory_space<vmem>>, vector<64x768xf32>
    %dot_general3A = arith.constant dense<0.000000e+00> : vector<576x768xf32>
    %dot_general3A_5 = tpu.matmul %get3A_1, %get3A_4, %dot_general3A {dimension_numbers = #tpu.dot_dimension_numbers<[1], [0], [0], [1], [0, 0, 1, 1], [], []>, transpose_lhs_hint = false} : vector<576x64xf32>, vector<64x768xf32>, vector<576x768xf32> -> vector<576x768xf32>
    %get3A_6 = arith.constant 0 : index
    %get3A_7 = arith.constant 0 : index
    %get3A_8 = vector.load %arg5[%get3A_6, %get3A_7] : memref<1x768xf32, #tpu.memory_space<vmem>>, vector<1x768xf32>
    %add3A = vector.broadcast %get3A_8 : vector<1x768xf32> to vector<576x768xf32>
    %add3A_9 = arith.addf %dot_general3A_5, %add3A : vector<576x768xf32>
    %slice3A = vector.extract_strided_slice %add3A_9 {offsets = [0, 0], sizes = [576, 256], strides = [1, 1]} : vector<576x768xf32> to vector<576x256xf32>
    %reshape3A = vector.shape_cast %slice3A : vector<576x256xf32> to vector<24x24x16x16xf32>
    %transpose3A = tpu.transpose %reshape3A, [0, 2, 1, 3] : vector<24x24x16x16xf32> -> vector<24x16x24x16xf32>
    %reshape3A_10 = vector.shape_cast %transpose3A : vector<24x16x24x16xf32> to vector<384x384xf32>
    %swap3A = arith.constant 0 : index
    %swap3A_11 = arith.constant 0 : index
    %swap3A_12 = arith.constant 0 : index
    %swap3A_13 = arith.constant 0 : index
    %swap3A_14 = vector.load %arg6[%swap3A, %swap3A_11, %swap3A_12, %swap3A_13] : memref<1x3x384x384xf32, #tpu.memory_space<vmem>>, vector<1x1x384x384xf32>
    %swap3A_15 = vector.shape_cast %swap3A_14 : vector<1x1x384x384xf32> to vector<384x384xf32>
    %swap3A_16 = vector.shape_cast %reshape3A_10 : vector<384x384xf32> to vector<1x1x384x384xf32>
    tpu.vector_store %arg6[%swap3A, %swap3A_11, %swap3A_12, %swap3A_13], %swap3A_16 {strides = array<i32>} : memref<1x3x384x384xf32, #tpu.memory_space<vmem>>, vector<1x1x384x384xf32>,
    %get3A_17 = arith.constant 0 : index
    %get3A_18 = arith.constant 0 : index
    %get3A_19 = arith.constant 0 : index
    %get3A_20 = arith.constant 0 : index
    %get3A_21 = vector.load %arg1[%get3A_17, %get3A_18, %get3A_19, %get3A_20] : memref<1x3x384x384xf32, #tpu.memory_space<vmem>>, vector<1x1x384x384xf32>
    %get3A_22 = vector.shape_cast %get3A_21 : vector<1x1x384x384xf32> to vector<384x384xf32>
    %sub3A = arith.subf %reshape3A_10, %get3A_22 : vector<384x384xf32>
    %mul3A = arith.mulf %sub3A, %sub3A : vector<384x384xf32>
    %reduce_sum3A = vector.shape_cast %mul3A : vector<384x384xf32> to vector<1x384x384xf32>
    %reduce_sum3A_23 = arith.constant dense<0.000000e+00> : vector<1xf32>
    %reduce_sum3A_24 = vector.multi_reduction <add>, %reduce_sum3A, %reduce_sum3A_23 [1, 2] : vector<1x384x384xf32> to vector<1xf32>
    %reduce_sum3A_25 = vector.shape_cast %reduce_sum3A_24 : vector<1xf32> to vector<1x1x1xf32>
    %reduce_sum3A_26 = vector.extract %reduce_sum3A_25[0, 0, 0] : f32 from vector<1x1x1xf32>
    %add3A_27 = arith.constant 0.000000e+00 : f32
    %add3A_28 = arith.addf %add3A_27, %reduce_sum3A_26 : f32
    %slice3A_29 = vector.extract_strided_slice %add3A_9 {offsets = [0, 256], sizes = [576, 256], strides = [1, 1]} : vector<576x768xf32> to vector<576x256xf32>
    %reshape3A_30 = vector.shape_cast %slice3A_29 : vector<576x256xf32> to vector<24x24x16x16xf32>
    %transpose3A_31 = tpu.transpose %reshape3A_30, [0, 2, 1, 3] : vector<24x24x16x16xf32> -> vector<24x16x24x16xf32>
    %reshape3A_32 = vector.shape_cast %transpose3A_31 : vector<24x16x24x16xf32> to vector<384x384xf32>
    %swap3A_33 = arith.constant 0 : index
    %swap3A_34 = arith.constant 1 : index
    %swap3A_35 = arith.constant 0 : index
    %swap3A_36 = arith.constant 0 : index
    %swap3A_37 = vector.load %arg6[%swap3A_33, %swap3A_34, %swap3A_35, %swap3A_36] : memref<1x3x384x384xf32, #tpu.memory_space<vmem>>, vector<1x1x384x384xf32>
    %swap3A_38 = vector.shape_cast %swap3A_37 : vector<1x1x384x384xf32> to vector<384x384xf32>
    %swap3A_39 = vector.shape_cast %reshape3A_32 : vector<384x384xf32> to vector<1x1x384x384xf32>
    tpu.vector_store %arg6[%swap3A_33, %swap3A_34, %swap3A_35, %swap3A_36], %swap3A_39 {strides = array<i32>} : memref<1x3x384x384xf32, #tpu.memory_space<vmem>>, vector<1x1x384x384xf32>,
    %get3A_40 = arith.constant 0 : index
    %get3A_41 = arith.constant 1 : index
    %get3A_42 = arith.constant 0 : index
    %get3A_43 = arith.constant 0 : index
    %get3A_44 = vector.load %arg1[%get3A_40, %get3A_41, %get3A_42, %get3A_43] : memref<1x3x384x384xf32, #tpu.memory_space<vmem>>, vector<1x1x384x384xf32>
    %get3A_45 = vector.shape_cast %get3A_44 : vector<1x1x384x384xf32> to vector<384x384xf32>
    %sub3A_46 = arith.subf %reshape3A_32, %get3A_45 : vector<384x384xf32>
    %mul3A_47 = arith.mulf %sub3A_46, %sub3A_46 : vector<384x384xf32>
    %reduce_sum3A_48 = vector.shape_cast %mul3A_47 : vector<384x384xf32> to vector<1x384x384xf32>
    %reduce_sum3A_49 = arith.constant dense<0.000000e+00> : vector<1xf32>
    %reduce_sum3A_50 = vector.multi_reduction <add>, %reduce_sum3A_48, %reduce_sum3A_49 [1, 2] : vector<1x384x384xf32> to vector<1xf32>
    %reduce_sum3A_51 = vector.shape_cast %reduce_sum3A_50 : vector<1xf32> to vector<1x1x1xf32>
    %reduce_sum3A_52 = vector.extract %reduce_sum3A_51[0, 0, 0] : f32 from vector<1x1x1xf32>
    %add3A_53 = arith.addf %add3A_28, %reduce_sum3A_52 : f32
    %slice3A_54 = vector.extract_strided_slice %add3A_9 {offsets = [0, 512], sizes = [576, 256], strides = [1, 1]} : vector<576x768xf32> to vector<576x256xf32>
    %reshape3A_55 = vector.shape_cast %slice3A_54 : vector<576x256xf32> to vector<24x24x16x16xf32>
    %transpose3A_56 = tpu.transpose %reshape3A_55, [0, 2, 1, 3] : vector<24x24x16x16xf32> -> vector<24x16x24x16xf32>
    %reshape3A_57 = vector.shape_cast %transpose3A_56 : vector<24x16x24x16xf32> to vector<384x384xf32>
    %swap3A_58 = arith.constant 0 : index
    %swap3A_59 = arith.constant 2 : index
    %swap3A_60 = arith.constant 0 : index
    %swap3A_61 = arith.constant 0 : index
    %swap3A_62 = vector.load %arg6[%swap3A_58, %swap3A_59, %swap3A_60, %swap3A_61] : memref<1x3x384x384xf32, #tpu.memory_space<vmem>>, vector<1x1x384x384xf32>
    %swap3A_63 = vector.shape_cast %swap3A_62 : vector<1x1x384x384xf32> to vector<384x384xf32>
    %swap3A_64 = vector.shape_cast %reshape3A_57 : vector<384x384xf32> to vector<1x1x384x384xf32>
    tpu.vector_store %arg6[%swap3A_58, %swap3A_59, %swap3A_60, %swap3A_61], %swap3A_64 {strides = array<i32>} : memref<1x3x384x384xf32, #tpu.memory_space<vmem>>, vector<1x1x384x384xf32>,
    %get3A_65 = arith.constant 0 : index
    %get3A_66 = arith.constant 2 : index
    %get3A_67 = arith.constant 0 : index
    %get3A_68 = arith.constant 0 : index
    %get3A_69 = vector.load %arg1[%get3A_65, %get3A_66, %get3A_67, %get3A_68] : memref<1x3x384x384xf32, #tpu.memory_space<vmem>>, vector<1x1x384x384xf32>
    %get3A_70 = vector.shape_cast %get3A_69 : vector<1x1x384x384xf32> to vector<384x384xf32>
    %sub3A_71 = arith.subf %reshape3A_57, %get3A_70 : vector<384x384xf32>
    %mul3A_72 = arith.mulf %sub3A_71, %sub3A_71 : vector<384x384xf32>
    %reduce_sum3A_73 = vector.shape_cast %mul3A_72 : vector<384x384xf32> to vector<1x384x384xf32>
    %reduce_sum3A_74 = arith.constant dense<0.000000e+00> : vector<1xf32>
    %reduce_sum3A_75 = vector.multi_reduction <add>, %reduce_sum3A_73, %reduce_sum3A_74 [1, 2] : vector<1x384x384xf32> to vector<1xf32>
    %reduce_sum3A_76 = vector.shape_cast %reduce_sum3A_75 : vector<1xf32> to vector<1x1x1xf32>
    %reduce_sum3A_77 = vector.extract %reduce_sum3A_76[0, 0, 0] : f32 from vector<1x1x1xf32>
    %add3A_78 = arith.addf %add3A_53, %reduce_sum3A_77 : f32
    %get3A_79 = arith.constant 0 : index
    %get3A_80 = arith.constant 0 : index
    %get3A_81 = vector.load %arg2[%get3A_79, %get3A_80] : memref<576x64xf32, #tpu.memory_space<vmem>>, vector<576x64xf32>
    %sub3A_82 = arith.subf %get3A_81, %get3A_1 : vector<576x64xf32>
    %mul3A_83 = arith.mulf %sub3A_82, %sub3A_82 : vector<576x64xf32>
    %reduce_sum3A_84 = vector.shape_cast %mul3A_83 : vector<576x64xf32> to vector<1x576x64xf32>
    %reduce_sum3A_85 = arith.constant dense<0.000000e+00> : vector<1xf32>
    %reduce_sum3A_86 = vector.multi_reduction <add>, %reduce_sum3A_84, %reduce_sum3A_85 [1, 2] : vector<1x576x64xf32> to vector<1xf32>
    %reduce_sum3A_87 = vector.shape_cast %reduce_sum3A_86 : vector<1xf32> to vector<1x1x1xf32>
    %reduce_sum3A_88 = vector.extract %reduce_sum3A_87[0, 0, 0] : f32 from vector<1x1x1xf32>
    %reshape3A_89 = vector.broadcast %reduce_sum3A_88 : f32 to vector<1x1x1xf32>
    %swap3A_90 = arith.constant 0 : index
    %swap3A_91 = arith.constant 0 : index
    %swap3A_92 = arith.constant 0 : index
    %swap3A_93 = vector.load %arg7[%swap3A_90, %swap3A_91, %swap3A_92] : memref<1x1x1xf32, #tpu.memory_space<vmem>>, vector<1x1x1xf32>
    tpu.vector_store %arg7[%swap3A_90, %swap3A_91, %swap3A_92], %reshape3A_89 {strides = array<i32>} : memref<1x1x1xf32, #tpu.memory_space<vmem>>, vector<1x1x1xf32>,
    %reshape3A_94 = vector.broadcast %add3A_78 : f32 to vector<1x1x1xf32>
    %swap3A_95 = arith.constant 0 : index
    %swap3A_96 = arith.constant 0 : index
    %swap3A_97 = arith.constant 0 : index
    %swap3A_98 = vector.load %arg8[%swap3A_95, %swap3A_96, %swap3A_97] : memref<1x1x1xf32, #tpu.memory_space<vmem>>, vector<1x1x1xf32>
    tpu.vector_store %arg8[%swap3A_95, %swap3A_96, %swap3A_97], %reshape3A_94 {strides = array<i32>} : memref<1x1x1xf32, #tpu.memory_space<vmem>>, vector<1x1x1xf32>,
    return
  }
  func.func @transform_0(%arg0: i32) -> (i32, i32, i32, i32) {
    %c0_i32 = arith.constant 0 : i32
    %c0_i32_0 = arith.constant 0 : i32
    %c0_i32_1 = arith.constant 0 : i32
    %c0_i32_2 = arith.constant 0 : i32
    return %arg0, %c0_i32, %c0_i32_0, %c0_i32_1 : i32, i32, i32, i32
  }
  func.func @transform_1(%arg0: i32) -> (i32, i32) {
    %c0_i32 = arith.constant 0 : i32
    %c0_i32_0 = arith.constant 0 : i32
    return %arg0, %c0_i32 : i32, i32
  }
  func.func @transform_2(%arg0: i32) -> (i32, i32) {
    %c0_i32 = arith.constant 0 : i32
    %c0_i32_0 = arith.constant 0 : i32
    return %arg0, %c0_i32 : i32, i32
  }
  func.func @transform_3(%arg0: i32) -> (i32, i32) {
    %c0_i32 = arith.constant 0 : i32
    %c0_i32_0 = arith.constant 0 : i32
    %c0_i32_1 = arith.constant 0 : i32
    return %c0_i32, %c0_i32_0 : i32, i32
  }
  func.func @transform_4(%arg0: i32) -> (i32, i32) {
    %c0_i32 = arith.constant 0 : i32
    %c0_i32_0 = arith.constant 0 : i32
    %c0_i32_1 = arith.constant 0 : i32
    return %c0_i32, %c0_i32_0 : i32, i32
  }
  func.func @transform_5(%arg0: i32) -> (i32, i32, i32, i32) {
    %c0_i32 = arith.constant 0 : i32
    %c0_i32_0 = arith.constant 0 : i32
    %c0_i32_1 = arith.constant 0 : i32
    %c0_i32_2 = arith.constant 0 : i32
    return %arg0, %c0_i32, %c0_i32_0, %c0_i32_1 : i32, i32, i32, i32
  }
  func.func @transform_6(%arg0: i32) -> (i32, i32, i32) {
    %c0_i32 = arith.constant 0 : i32
    %c0_i32_0 = arith.constant 0 : i32
    %c0_i32_1 = arith.constant 0 : i32
    return %arg0, %c0_i32, %c0_i32_0 : i32, i32, i32
  }
  func.func @transform_7(%arg0: i32) -> (i32, i32, i32) {
    %c0_i32 = arith.constant 0 : i32
    %c0_i32_0 = arith.constant 0 : i32
    %c0_i32_1 = arith.constant 0 : i32
    return %arg0, %c0_i32, %c0_i32_0 : i32, i32, i32
  }
}

</mosaic_0001>

<sc_bundles>
// kernel: kernel.5.cloned.1.call-start
scs
__scs_entry_jumppad:
0x0: {  	(pc) =	sbr.rel $0x88, $3  }
0x1: {  	(tag) =	ssettag $0x0;
	lr =	simm.s32 $0x1  }
0x2: {  	[smem:$0x3F9B] =	sst lr;
	_ =	strace $0xD0000000  }
0x3: {  	_ = 	snop  }
0x4: {  	_ = 	snop  }
0x5: {  	_ = 	snop  }
0x6: {  	_ = 	snop  }
0x7: {  	_ = 	snop  }
__scs_overlays_trampoline_lowered:
0x8: {  	[smem:$0x3FAA] =	sst s0  }
0x9: {  	[smem:$0x3FAB] =	sst s1  }
0xa: {  	[smem:$0x3FAC] =	sst s2  }
0xb: {  	[smem:$0x3FAD] =	sst s3  }
0xc: {  	[smem:$0x3FAE] =	sst s4  }
0xd: {  	[smem:$0x3FAF] =	sst s5  }
0xe: {  	[smem:$0x3FB0] =	sst s6  }
0xf: {  	[smem:$0x3FB1] =	sst s7  }
0x10: {  	[smem:$0x3FB2] =	sst s8  }
0x11: {  	[smem:$0x3FB3] =	sst s9;
	s0 =	simm.s32 @!p0 $0x0  }
0x12: {  	s1 =	sld [smem:$0x3F99];
	s0 =	simm.s32 @p0 $0x1  }
0x13: {  	[smem:$0x3FB4] =	sst s0;
	s0 =	simm.s32 @!p1 $0x0  }
0x14: {  	s2 =	sld [smem:$0x3F98];
	s0 =	simm.s32 @p1 $0x1  }
0x15: {  	[smem:$0x3FB5] =	sst s0;
	s0 =	simm.s32 @!p2 $0x0  }
0x16: {  	s3 =	sld [smem:$0x3FDB];
	s0 =	simm.s32 @p2 $0x1  }
0x17: {  	s4 =	simm.s32 $0x1BF5;
	[smem:$0x3FB7] =	sst s0  }
0x18: {  	s0 =	sld [smem:$0x3F9A];
	_ =	swait.ge [sflag:s4], $0x0  }
0x19: {  	s7 =	sld [smem:$0x3F9B]  }
0x1a: {  	s8 =	sadd.s32 $0xFFFFE003, lr  }
0x1b: {  	s9 =	sadd.s32 $0xFFFFFEF7, lr;
	s5 =	simm.s32 $0xFFFFFFFF;
	p2 =	slt.u32 s8, $0xFFFFF086  }
0x1c: {  	p1 =	slt.u32 s9, $0xF7A;
	s5 =	simm.s32 @!p2 $0x0  }
0x1d: {  	s5 =	simm.s32 @p1 $0x1;
	p0 =	seq.s32 s7, s2  }
0x1e: {  	s7 =	smul.u32 @!p0 $0xF7A, s2;
	p2 =	seq.s32 @!p0 s5, $0x0  }
0x1f: {  	s9 =	smul.u32 $0xF7A, s1;
	s8 =	simm.s32 @!p0 $0x1BF5;
	p2 =	por !p2, p0  }
0x20: {  	[sflag:s8] =	ssyncset.s32 @!p0 $0xFFFFF086;
	s6 =	sadd.s32 @!p0 s3, s7;
	s7 =	simm.s32 @!p0 $0x108  }
0x21: {  	s3 =	sadd.s32 s3, s9;
	s6 =	sadd.s32 @!p0 $0x88, s6;
	s7 =	simm.s32 @p2 $0x1082  }
0x22: {  	[simem:s7], [sflag:s8] =	dma.local @!p0 [hbm:s6], $0xF7A  }
0x23: {  	s9 =	sor.u32 $0xD0000000, s2;
	s6 =	simm.s32 $0x108;
	_ =	swait.ge @!p0 [sflag:s8], $0x0  }
0x24: {  	s3 =	sadd.s32 $0x88, s3;
	s6 =	simm.s32 @!p1 $0x1082;
	[sflag:s4] =	ssyncset.s32 $0xFFFFF086  }
0x25: {  	[simem:s6], [sflag:s4] =	dma.local [hbm:s3], $0xF7A  }
0x26: {  	[smem:$0x3F9B] =	sst s1;
	(tag) =	ssettag s2;
	_ =	strace s9  }
0x27: {  	s1 =	sld [smem:$0x3FAB]  }
0x28: {  	s2 =	sld [smem:$0x3FAC]  }
0x29: {  	s4 =	sld [smem:$0x3FAE]  }
0x2a: {  	p0 =	seq.s32 s5, $0x0;
	s5 =	sld [smem:$0x3FAF]  }
0x2b: {  	s6 =	sld [smem:$0x3FB0]  }
0x2c: {  	s7 =	sld [smem:$0x3FB1]  }
0x2d: {  	s3 =	simm.s32 $0x108;
	s8 =	sld [smem:$0x3FB2]  }
0x2e: {  	s3 =	simm.s32 @!p0 $0x1082;
	s9 =	sld [smem:$0x3FB3]  }
0x2f: {  	lr =	sadd.s32 s0, s3;
	s0 =	sld [smem:$0x3FAA]  }
0x30: {  	s3 =	sld [smem:$0x3FAD]  }
0x31: {  	[smem:$0x3FB6] =	sst s10  }
0x32: {  	s10 =	sld [smem:$0x3FB4];
	_ =	sdelay $0x3  }
0x33: {  	p0 =	seq.s32 s10, $0x1;
	s10 =	sld [smem:$0x3FB6];
	_ =	sdelay $0x3  }
0x34: {  	[smem:$0x3FB6] =	sst s10  }
0x35: {  	s10 =	sld [smem:$0x3FB5];
	_ =	sdelay $0x3  }
0x36: {  	p1 =	seq.s32 s10, $0x1;
	s10 =	sld [smem:$0x3FB6];
	_ =	sdelay $0x3  }
0x37: {  	[smem:$0x3FB6] =	sst s10  }
0x38: {  	s10 =	sld [smem:$0x3FB7]  }
0x39: {  	_ = 	snop;
	(pc) =	sbr.ind lr, $3  }
0x3a: {  	_ = 	snop  }
0x3b: {  	_ = 	snop  }
0x3c: {  	p2 =	seq.s32 s10, $0x1;
	s10 =	sld [smem:$0x3FB6]  }
0x3d: {  	_ =	shalt  }
0x3e: {  	_ =	shalt  }
0x3f: {  	_ =	shalt  }
0x40: {  	_ =	shalt  }
0x41: {  	_ =	shalt  }
0x42: {  	_ =	shalt  }
0x43: {  	_ =	shalt  }
0x44: {  	_ =	shalt  }
0x45: {  	_ =	shalt  }
0x46: {  	_ =	shalt  }
0x47: {  	_ =	shalt  }
0x48: {  	_ =	shalt  }
0x49: {  	_ =	shalt  }
0x4a: {  	_ =	shalt  }
0x4b: {  	_ =	shalt  }
0x4c: {  	_ =	shalt  }
0x4d: {  	_ =	shalt  }
0x4e: {  	_ =	shalt  }
0x4f: {  	_ =	shalt  }
0x50: {  	_ =	shalt  }
0x51: {  	_ =	shalt  }
0x52: {  	_ =	shalt  }
0x53: {  	_ =	shalt  }
0x54: {  	_ =	shalt  }
0x55: {  	_ =	shalt  }
0x56: {  	_ =	shalt  }
0x57: {  	_ =	shalt  }
0x58: {  	_ =	shalt  }
0x59: {  	_ =	shalt  }
0x5a: {  	_ =	shalt  }
0x5b: {  	_ =	shalt  }
0x5c: {  	_ =	shalt  }
0x5d: {  	_ =	shalt  }
0x5e: {  	_ =	shalt  }
0x5f: {  	_ =	shalt  }
0x60: {  	_ =	shalt  }
0x61: {  	_ =	shalt  }
0x62: {  	_ =	shalt  }
0x63: {  	_ =	shalt  }
0x64: {  	_ =	shalt  }
0x65: {  	_ =	shalt  }
0x66: {  	_ =	shalt  }
0x67: {  	_ =	shalt  }
0x68: {  	_ =	shalt  }
0x69: {  	_ =	shalt  }
0x6a: {  	_ =	shalt  }
0x6b: {  	_ =	shalt  }
0x6c: {  	_ =	shalt  }
0x6d: {  	_ =	shalt  }
0x6e: {  	_ =	shalt  }
0x6f: {  	_ =	shalt  }
0x70: {  	_ =	shalt  }
0x71: {  	_ =	shalt  }
0x72: {  	_ =	shalt  }
0x73: {  	_ =	shalt  }
0x74: {  	_ =	shalt  }
0x75: {  	_ =	shalt  }
0x76: {  	_ =	shalt  }
0x77: {  	_ =	shalt  }
0x78: {  	_ =	shalt  }
0x79: {  	_ =	shalt  }
0x7a: {  	_ =	shalt  }
0x7b: {  	_ =	shalt  }
0x7c: {  	_ =	shalt  }
0x7d: {  	_ =	shalt  }
0x7e: {  	_ =	shalt  }
0x7f: {  	_ =	shalt  }
0x80: {  	_ =	shalt  }
0x81: {  	_ =	shalt  }
0x82: {  	_ =	shalt  }
0x83: {  	_ =	shalt  }
0x84: {  	_ =	shalt  }
0x85: {  	_ =	shalt  }
0x86: {  	_ =	shalt  }
0x87: {  	_ =	shalt  }
.Lfunc_end0:
.L_simem_size_0:
called_computation_lowered:
.L_overlay_start_0:
0x88: {  	s2 =	sld [smem:$0x3FD9]  }
0x89: {  	s3 =	sld [smem:$0x3FFE];
	_ =	sdelay $0x1  }
0x8a: {  	s1 =	srdreg.scid  }
0x8b: {  	s0 =	sand.u32 $0x1, s1  }
0x8c: {  	s14 =	sshll.u32 s0, $0xA;
	s2 =	sadd.s32 s3, s2  }
0x8d: {  	s2 =	sadd.s32 s2, s14  }
0x8e: {  	[smem:$0x3FC2] =	sst s2  }
0x8f: {  	_ = 	snop  }
0x90: {  	s2 =	sld [smem:$0x3FD0];
	_ =	sdelay $0x2  }
0x91: {  	s15 =	simm.s32 $0xA;
	s4 =	simm.s32 $0x10  }
0x92: {  	[smem:s4], [sflag:s15] =	dma.local [hbm:s2], $0x1  }
0x93: {  	_ =	swait.eq [sflag:s15], $0x1  }
0x94: {  	[sflag:s15] =	ssyncset.done $0x0  }
0x95: {  	[sflag:s15] =	ssyncadd.s32 $0xFFFFFFFF  }
0x96: {  	s16 =	sld [smem:$0x12];
	(tm) =	ssettm $0x1  }
0x97: {  	s17 =	sld [smem:$0x3FFB];
	_ =	sdelay $0x3  }
0x98: {  	_ =	strace s17  }
0x99: {  	s3 =	sld [smem:$0x3FFC];
	_ =	sdelay $0x3  }
0x9a: {  	_ =	strace s3  }
0x9b: {  	s3 =	sld [smem:$0x3FFD];
	_ =	sdelay $0x3  }
0x9c: {  	_ =	strace s3  }
0x9d: {  	_ =	strace $0x8FFFFFFF  }
0x9e: {  	s18 =	sld [smem:$0x3FDB];
	_ =	sdelay $0x1  }
0x9f: {  	s19 =	simm.s32 $_scs_section_size  }
0xa0: {  	s5 =	simm.s32 $_size__tile_overlayer_lowered;
	s6 =	simm.s32 $_tile_overlayer_lowered  }
0xa1: {  	s22 =	simm.s32 $0x1BFF;
	s21 =	sshll.u32 s6, $0x1;
	s3 =	sadd.s32 s19, s18  }
0xa2: {  	s7 =	simm.s32 $0x0;
	s20 =	sshll.u32 s5, $0x1;
	s5 =	sadd.s32 s21, s3  }
0xa3: {  	[timem:s7], [sflag:s22] =	dma.local [hbm:s5], s20  }
0xa4: {  	_ =	swait.ge [sflag:s22], s20  }
0xa5: {  	s4 =	ssub.s32 $0x0, s20;
	[sflag:s22] =	ssyncset.done $0x0  }
0xa6: {  	[sflag:s22] =	ssyncadd.s32 s4;
	_ =	sdelay $0x1  }
0xa7: {  	s23 =	simm.s32 $0x1B8B  }
0xa8: {  	_ =	swait.ge [sflag:s23], $0x1  }
0xa9: {  	[sflag:s23] =	ssyncset.done $0x0  }
0xaa: {  	s25 =	simm.s32 $0x1B8E;
	s24 =	sld [smem:$0x3FFE];
	[sflag:s23] =	ssyncadd.s32 $0xFFFFFFFF  }
0xab: {  	s26 =	simm.s32 $execute0_lowered;
	[smem:$0x3FD2] =	sst s25  }
0xac: {  	s5 =	sshll.u32 s26, $0x1;
	_ =	strace $0x80000046;
	[dreg:$0x1] =	wrdreg $0xFFFFFFFF  }
0xad: {  	s28 =	simm.s32 $_size_execute0_lowered;
	s3 =	sadd.s32 s3, s5;
	[dreg:$0x0] =	wrdreg $0x0  }
0xae: {  	s5 =	sshll.u32 s28, $0x1;
	[dreg:$0x2] =	wrdreg s3  }
0xaf: {  	[dreg:$0x3] =	wrdreg s5  }
0xb0: {  	[dreg:$0x4] =	wrdreg $0xC0  }
0xb1: {  	_ =	task [dreg:s7], $0x5FFFF  }
0xb2: {  	[dreg:$0x1] =	wrdreg $0xFFFFFFFF  }
0xb3: {  	[dreg:$0x0] =	wrdreg $0x60  }
0xb4: {  	[dreg:$0x2] =	wrdreg s24  }
0xb5: {  	[dreg:$0x3] =	wrdreg s16  }
0xb6: {  	[dreg:$0x4] =	wrdreg $0x9  }
0xb7: {  	_ =	task.clear_ibuf [dreg:s7], $0x5FFFF;
	_ =	strace $0x90000046  }
0xb8: {  	s29 =	simm.s32 $0x9;
	_ =	strace $0x80000048  }
0xb9: {  	_ =	swait.ge [sflag:s29], $0x1  }
0xba: {  	[sflag:s29] =	ssyncadd.s32 $0xFFFFFFFF  }
0xbb: {  	_ =	strace $0x90000048  }
0xbc: {  	_ =	sfence  }
0xbd: {  	s30 =	sld [smem:$0x0];
	_ =	sdelay $0x2  }
0xbe: {  	s31 =	sshll.u32 s1, $0xD;
	s1 =	sshrl.u32 s1, $0x2  }
0xbf: {  	s3 =	sand.u32 $0x4000, s31;
	s1 =	sadd.s32 s1, s30  }
0xc0: {  	s0 =	sor.u32 s3, s0;
	s1 =	sshll.u32 s1, $0x11  }
0xc1: {  	s0 =	sor.u32 s1, s0  }
0xc2: {  	s0 =	sadd.s32 $0x8F2B, s0  }
0xc3: {  	[sflag:s0] =	ssyncadd.remote.s32 $0x1  }
0xc4: {  	_ =	sfence.sel $0xFFFF  }
0xc5: {  	[dreg:$0x0] =	wrdreg $0xFFFFFFFF;
	(pc) =	sbr.abs _section_cstart, $3  }
0xc6: {  	[dreg:$0x1] =	wrdreg $0xFFFFFFFF  }
0xc7: {  	_ =	task.clear_ibuf [dreg:s7], $0x2FFFF;
	_ =	strace $0x9FFFFFFF  }
0xc8: {  	(tm) =	ssettm $0x7FFFFFFF  }
0xc9: {  	_ =	shalt  }
tec
execute0_lowered:
.L_overlay_start_1:
0x0: {  	(tag) =	ssettag $0x1  }
0x1: {  	s1 =	srdreg.scid;
	s0 =	stileid.u32  }
0x2: {  	s2 =	rddreg [dreg:$0x0];
	s11 =	sand.u32 $0x1, s1;
	s30 =	sshll.u32 s0, $0x1  }
0x3: {  	s13 =	rddreg [dreg:$0x1];
	s14 =	sor.u32 s11, s30  }
0x4: {  	s3 =	simm.s32 $0x0;
	s1 =	rddreg [dreg:$0x2];
	s4 =	sshll.u32 s14, $0x6  }
0x5: {  	[smem:$0x7FF] =	sst s3;
	s4 =	sadd.s32 s4, s2  }
0x6: {  	_ =	strace $0x80000047;
	s5 =	sadd.s32 $0x4000, s4;
	s4 =	simm.s32 $0x2  }
0x7: {  	[tilespmem:s3], [sflag:$0x2] =	stream.linear.gather [hbm4b:s5+s3], $0x180, $0x38;
	[tilespmem:$0x9200] =	vst v63  }
0x8: {  	_ =	swait.ge [sflag:s4], $0x180  }
0x9: {  	s6 =	simm.s32 $0x60;
	[sflag:s4] =	ssyncset.done $0x0  }
0xa: {  	s7 =	simm.s32 $0x200;
	s8 =	simm.s32 $0x1;
	[sflag:s4] =	ssyncadd.s32 $0xFFFFFE80  }
0xb: {  	[tilespmem:s7], [sflag:$0x1] =	stream.indirect.gather [hbm4b:s2+s6], $0x80, s3, s6, $0xb8;
	[tilespmem:$0x9200] =	vst v63  }
0xc: {  	_ =	swait.ge [sflag:s8], $0x3000  }
0xd: {  	s9 =	simm.s32 $0x80;
	[sflag:s8] =	ssyncset.done $0x0  }
0xe: {  	s10 =	simm.s32 $0x3200;
	s15 =	ssub.s32 $0x2, s11;
	[sflag:s8] =	ssyncadd.s32 $0xFFFFD000  }
0xf: {  	[tilespmem:s10], [sflag:$0x1] =	stream.indirect.gather [hbm4b:s2+s6], $0x80, s9, s6, $0xb8;
	[tilespmem:$0x9200] =	vst v63  }
0x10: {  	s16 =	sshrl.u32 s15, $0x1;
	_ =	swait.ge [sflag:s8], $0x3000  }
0x11: {  	s12 =	simm.s32 $0x6200;
	s15 =	ssub.s32 s15, s16;
	[sflag:s8] =	ssyncset.done $0x0  }
0x12: {  	s11 =	simm.s32 $0x100;
	s31 =	smax.u32 s15, $0x1;
	[sflag:s8] =	ssyncadd.s32 $0xFFFFD000  }
0x13: {  	[tilespmem:s12], [sflag:$0x1] =	stream.indirect.gather [hbm4b:s2+s6], $0x80, s11, s6, $0xb8;
	[tilespmem:$0x9200] =	vst v63  }
0x14: {  	s14 =	smul.u32 $0x1200, s14;
	p0 =	sne.s32 s31, $0x1;
	_ =	swait.ge [sflag:s8], $0x3000  }
.Ltmp0:
0x15: {  	[sflag:s8] =	ssyncset.done $0x0;
	(pc) =	sbr.rel @!p0 .LBB2_2-.Ltmp0, $4  }
0x16: {  	s13 =	sadd.s32 s13, s14;
	[sflag:s8] =	ssyncadd.s32 $0xFFFFD000  }
0x17: {  	[hbm4b:s13+s3] =	stream.linear.scatter [tilespmem:s7], [sflag:$0x2], $0x9000, $0x38;
	[tilespmem:$0x9200] =	vst v63  }
0x18: {  	_ =	swait.ge [sflag:s4], $0x9000  }
0x19: {  	s14 =	sadd.s32 $0xFFFFFFFF, s31;
	[sflag:s4] =	ssyncset.done $0x0  }
.LBB2_1:
0x1a: {  	p0 =	sne.s32 s14, $0x1;
	s14 =	sadd.s32 $0xFFFFFFFF, s14;
	[sflag:s4] =	ssyncadd.s32 $0xFFFF7000  }
0x1b: {  	[tilespmem:s3], [sflag:$0x2] =	stream.linear.gather [hbm4b:s5+s3], $0x180, $0x38;
	[tilespmem:$0x9200] =	vst v63  }
0x1c: {  	_ =	swait.ge [sflag:s4], $0x180  }
0x1d: {  	[sflag:s4] =	ssyncset.done $0x0  }
0x1e: {  	[sflag:s4] =	ssyncadd.s32 $0xFFFFFE80  }
0x1f: {  	[tilespmem:s7], [sflag:$0x1] =	stream.indirect.gather [hbm4b:s2+s6], $0x80, s3, s6, $0xb8;
	[tilespmem:$0x9200] =	vst v63  }
0x20: {  	_ =	swait.ge [sflag:s8], $0x3000  }
0x21: {  	[sflag:s8] =	ssyncset.done $0x0  }
0x22: {  	[sflag:s8] =	ssyncadd.s32 $0xFFFFD000  }
0x23: {  	[tilespmem:s10], [sflag:$0x1] =	stream.indirect.gather [hbm4b:s2+s6], $0x80, s9, s6, $0xb8;
	[tilespmem:$0x9200] =	vst v63  }
0x24: {  	_ =	swait.ge [sflag:s8], $0x3000  }
0x25: {  	[sflag:s8] =	ssyncset.done $0x0  }
0x26: {  	[sflag:s8] =	ssyncadd.s32 $0xFFFFD000  }
0x27: {  	[tilespmem:s12], [sflag:$0x1] =	stream.indirect.gather [hbm4b:s2+s6], $0x80, s11, s6, $0xb8;
	[tilespmem:$0x9200] =	vst v63  }
0x28: {  	_ =	swait.ge [sflag:s8], $0x3000  }
.Ltmp1:
0x29: {  	[sflag:s8] =	ssyncset.done $0x0;
	(pc) =	sbr.rel @p0 .LBB2_1-.Ltmp1, $4  }
0x2a: {  	[sflag:s8] =	ssyncadd.s32 $0xFFFFD000  }
0x2b: {  	[hbm4b:s13+s3] =	stream.linear.scatter [tilespmem:s7], [sflag:$0x2], $0x9000, $0x38;
	[tilespmem:$0x9200] =	vst v63  }
0x2c: {  	_ =	swait.ge [sflag:s4], $0x9000  }
0x2d: {  	[sflag:s4] =	ssyncset.done $0x0  }
.LBB2_2:
0x2e: {  	[sflag:s4] =	ssyncadd.s32 $0xFFFF7000  }
0x2f: {  	_ =	sfence.sel $0x180000  }
0x30: {  	[bflag:$0x0] =	sbarrier.arrive $0xFFFF  }
0x31: {  	p0 =	sne.s32 s0, $0x0;
	_ =	strace $0x90000047  }
0x32: {  	s0 =	sadd.s32 @!p0 $0x100000, s1;
	[bflag:$0x2] =	sbarrier.arrive $0xFFFF  }
0x33: {  	[sflag:s0] =	ssyncadd.tile.s32 @!p0 $0x1;
	_ =	shalt  }
.Lfunc_end2:
_tile_overlayer_lowered:
.L_overlay_start_2:
0x34: {  	(tag) =	ssettag $0x2  }
0x35: {  	s0 =	rddreg [dreg:$0x0];
	s2 =	stileid.u32  }
0x36: {  	s1 =	rddreg [dreg:$0x1];
	p0 =	sne.s32 s2, $0x0  }
0x37: {  	s3 =	rddreg [dreg:$0x2];
	[bflag:$0x3] =	sbarrier.arrive $0xFFFF;
	s2 =	simm.s32 @!p0 $0x1C02  }
0x38: {  	[timem:s3], [sflag:s2] =	dma.local @!p0 [hbm:s0], s1  }
0x39: {  	s0 =	simm.s32 @!p0 $0x2  }
0x3a: {  	_ =	swait.ge @!p0 [sflag:s0], s1  }
0x3b: {  	s1 =	ssub.s32 @!p0 $0x0, s1;
	[sflag:s0] =	ssyncset.done @!p0 $0x0  }
0x3c: {  	[sflag:s0] =	ssyncadd.s32 @!p0 s1  }
0x3d: {  	[bflag:$0x3] =	sbarrier.arrive $0xFFFF  }
0x3e: {  	_ =	shalt  }

</sc_bundles>
